<compile_context>
chip_gen: v7x
topology: tpu7x:2x2x1
jax: 0.10.2.dev20260603
libtpu: 0.0.44.dev20260713+nightly
codegen_flags: <defaults>
</compile_context>

<pallas_src>
import functools

import jax
import jax.numpy as jnp
from jax import lax
from jax.experimental import pallas as pl
from jax.experimental.pallas import tpu as pltpu
from jax.experimental.pallas import tpu_sc as plsc

_B = 4096
_D = 256
_K = 1024
_L = 4
_BB = 256
_NW = 32
_RPW = _B // _NW

_CONTRACT_LAST = (((1,), (1,)), ((), ()))


def _rows_body(scal_ref, cb_ref, out_ref):
    inv_t = scal_ref[0, 1]
    cb = cb_ref[...]
    cbn = jnp.sum(cb * cb, axis=-1)
    out_ref[...] = jnp.broadcast_to(cbn[None], (8, 3, _K)) * (-inv_t)


def _sc_fill(row8_hbm, out_hbm, row8_v, rep_sh):
    s = lax.axis_index("s")
    c = lax.axis_index("c")
    wid = s * 2 + c
    pltpu.sync_copy(row8_hbm, row8_v)
    pltpu.sync_copy(row8_v, rep_sh.at[pl.ds(s * 8, 8), :])
    plsc.subcore_barrier()
    pltpu.sync_copy(rep_sh,
                    out_hbm.at[pl.ds(wid * _RPW, _RPW), pl.ds(_K, 3 * _K)])


def _main_body(sc_ref, scal_ref, feat_ref, wh_ref, wl_ref, bias_ref, g_ref,
               beta_ref, cb0_ref, cb0h_ref, logits_ref, qsum_ref, nrow_ref):
    del sc_ref
    s0 = scal_ref[0, 0]
    inv_t = scal_ref[0, 1]

    @pl.when(pl.program_id(0) == 0)
    def _():
        cb0 = cb0_ref[...]
        nrow_ref[0, :] = jnp.sum(cb0 * cb0, axis=-1) * (-inv_t)

    f = feat_ref[...]
    fh = f.astype(jnp.bfloat16)
    fl = (f - fh.astype(jnp.float32)).astype(jnp.bfloat16)
    h = (jax.lax.dot_general(fh, wh_ref[...], _CONTRACT_LAST,
                             preferred_element_type=jnp.float32)
         + jax.lax.dot_general(fh, wl_ref[...], _CONTRACT_LAST,
                               preferred_element_type=jnp.float32)
         + jax.lax.dot_general(fl, wh_ref[...], _CONTRACT_LAST,
                               preferred_element_type=jnp.float32))
    h = h + bias_ref[...]

    mu = jnp.mean(h, axis=-1, keepdims=True)
    var = jnp.mean((h - mu) * (h - mu), axis=-1, keepdims=True)
    h = (h - mu) * jax.lax.rsqrt(var + 1e-5)
    h = h * g_ref[...] + beta_ref[...]
    h = jnp.maximum(h, 0.0)

    rs = h * s0

    rown = jnp.sum(rs * rs, axis=-1, keepdims=True)
    cross = jax.lax.dot_general(rs.astype(jnp.bfloat16), cb0h_ref[...],
                                _CONTRACT_LAST,
                                preferred_element_type=jnp.float32)
    logits_ref[...] = ((2.0 * inv_t) * cross - inv_t * rown
                       + nrow_ref[0][None, :])

    mu2 = jnp.mean(rs, axis=-1, keepdims=True)
    var2 = jnp.mean((rs - mu2) * (rs - mu2), axis=-1, keepdims=True)
    qsum_ref[...] = (rs - mu2) * jax.lax.rsqrt(var2 + 1e-5)


def kernel(features, W_proj, b_proj, ln_gamma, ln_beta, codebooks,
           residual_scales, temperature):
    inv_t = 1.0 / jnp.maximum(temperature, 0.01)
    scal = jnp.stack([residual_scales[0].astype(jnp.float32),
                      inv_t.astype(jnp.float32)]).reshape(1, 2)

    w_hi = W_proj.astype(jnp.bfloat16)
    w_lo = (W_proj - w_hi.astype(jnp.float32)).astype(jnp.bfloat16)
    cb0 = codebooks[0]
    cb0_hi = cb0.astype(jnp.bfloat16)

    rows8 = pl.pallas_call(
        _rows_body,
        in_specs=[
            pl.BlockSpec(memory_space=pltpu.SMEM),
            pl.BlockSpec((_L - 1, _K, _D), lambda: (0, 0, 0)),
        ],
        out_specs=pl.BlockSpec((8, _L - 1, _K), lambda: (0, 0, 0)),
        out_shape=jax.ShapeDtypeStruct((8, _L - 1, _K), jnp.float32),
    )(scal, codebooks[1:]).reshape(8, (_L - 1) * _K)

    mesh = plsc.VectorSubcoreMesh(core_axis_name="c", subcore_axis_name="s")
    sc_fill = functools.partial(
        pl.kernel,
        out_type=jax.ShapeDtypeStruct((_B, _L * _K), jnp.float32),
        mesh=mesh,
        scratch_types=[
            pltpu.VMEM((8, (_L - 1) * _K), jnp.float32),
            pltpu.VMEM_SHARED((_RPW, (_L - 1) * _K), jnp.float32),
        ],
    )(_sc_fill)
    sc_buf = sc_fill(rows8)

    grid = (_B // _BB,)
    logits2d, qsum = pl.pallas_call(
        _main_body,
        grid=grid,
        in_specs=[
            pl.BlockSpec(memory_space=pl.ANY),
            pl.BlockSpec(memory_space=pltpu.SMEM),
            pl.BlockSpec((_BB, _D), lambda i: (i, 0)),
            pl.BlockSpec((_D, _D), lambda i: (0, 0)),
            pl.BlockSpec((_D, _D), lambda i: (0, 0)),
            pl.BlockSpec((1, _D), lambda i: (0, 0)),
            pl.BlockSpec((1, _D), lambda i: (0, 0)),
            pl.BlockSpec((1, _D), lambda i: (0, 0)),
            pl.BlockSpec((_K, _D), lambda i: (0, 0)),
            pl.BlockSpec((_K, _D), lambda i: (0, 0)),
        ],
        out_specs=[
            pl.BlockSpec((_BB, _K), lambda i: (i, 0)),
            pl.BlockSpec((_BB, _D), lambda i: (i, 0)),
        ],
        out_shape=[
            jax.ShapeDtypeStruct((_B, _L * _K), jnp.float32),
            jax.ShapeDtypeStruct((_B, _D), jnp.float32),
        ],
        input_output_aliases={0: 0},
        scratch_shapes=[pltpu.VMEM((1, _K), jnp.float32)],
        compiler_params=pltpu.CompilerParams(
            dimension_semantics=("arbitrary",)),
    )(
        sc_buf,
        scal,
        features,
        w_hi,
        w_lo,
        b_proj.reshape(1, _D),
        ln_gamma.reshape(1, _D),
        ln_beta.reshape(1, _D),
        cb0,
        cb0_hi,
    )
    return logits2d.reshape(_B, _L, _K), qsum

# --- scband reference (transcript-rebuilt; emitter-appended) ---
"""Pipeline reference for scband-semantic-idquantizer-71107478553160 (READ-ONLY COPY).

The authoritative reference and input builder live on the scoring server;
editing this copy changes nothing except your own understanding.
"""

import jax, jax.numpy as jnp
import numpy as np

HIDDEN_DIM = 256
CODEBOOK_SIZE = 1024
ID_LENGTH = 4
BATCH = 4096


def _layer_norm(x, gamma, beta, eps=1e-5):
    mu = jnp.mean(x, axis=-1, keepdims=True)
    var = jnp.mean((x - mu) ** 2, axis=-1, keepdims=True)
    xn = (x - mu) / jnp.sqrt(var + eps)
    if gamma is None:
        return xn
    return xn * gamma + beta


def setup_inputs(seed: int = 0) -> dict:
    key = jax.random.key(seed)
    k = jax.random.split(key, 4)
    features = jax.random.normal(k[0], (BATCH, HIDDEN_DIM), dtype=jnp.float32)
    W_proj = jax.random.normal(k[1], (HIDDEN_DIM, HIDDEN_DIM), dtype=jnp.float32) * (1.0 / np.sqrt(HIDDEN_DIM))
    b_proj = jnp.zeros((HIDDEN_DIM,), dtype=jnp.float32)
    ln_gamma = jnp.ones((HIDDEN_DIM,), dtype=jnp.float32)
    ln_beta = jnp.zeros((HIDDEN_DIM,), dtype=jnp.float32)
    codebooks = jax.random.normal(k[2], (ID_LENGTH, CODEBOOK_SIZE, HIDDEN_DIM), dtype=jnp.float32)
    residual_scales = jnp.ones((ID_LENGTH,), dtype=jnp.float32)
    temperature = jnp.asarray(0.5, dtype=jnp.float32)
    return {
        'features': features,
        'W_proj': W_proj,
        'b_proj': b_proj,
        'ln_gamma': ln_gamma,
        'ln_beta': ln_beta,
        'codebooks': codebooks,
        'residual_scales': residual_scales,
        'temperature': temperature,
    }


def reference(features, W_proj, b_proj, ln_gamma, ln_beta, codebooks, residual_scales, temperature):
    # feature_proj: Linear -> LayerNorm -> ReLU
    h = features @ W_proj.T + b_proj
    h = _layer_norm(h, ln_gamma, ln_beta)
    h = jax.nn.relu(h)

    residual = h
    quantized_sum = jnp.zeros_like(h)
    logits_all = []
    for level in range(ID_LENGTH):
        cb = codebooks[level]
        scale = residual_scales[level]
        residual_scaled = residual * scale
        # squared euclidean distance: ||a||^2 + ||b||^2 - 2 a.b (same math as sum((a-b)^2))
        dist = (jnp.sum(residual_scaled * residual_scaled, axis=-1, keepdims=True)
                + jnp.sum(cb * cb, axis=-1)[None, :]
                - 2.0 * (residual_scaled @ cb.T))
        logits = -dist / jnp.maximum(temperature, 0.01)
        logits_all.append(logits)
        ids = jnp.argmin(dist, axis=-1)
        quantized = jnp.take(cb, ids, axis=0)
        # straight-through: forward value == residual_scaled, grad flows into codebook
        quantized = quantized + jax.lax.stop_gradient(residual_scaled - quantized)
        quantized_sum = quantized_sum + quantized
        residual = residual - quantized / scale

    semantic_ids_logits = jnp.stack(logits_all, axis=1)
    quantized_sum = _layer_norm(quantized_sum, None, None)
    return (semantic_ids_logits, quantized_sum)

if __name__ == "__main__":
    import jax
    _d = setup_inputs()
    print(jax.jit(kernel)(*tuple(_d.values())))

</pallas_src>

<mosaic_0001>
#map = affine_map<(d0, d1) -> (0, 0)>
module attributes {stable_mosaic.version = 14 : i64} {
  func.func @_sc_fill(%arg0: i32, %arg1: i32, %arg2: memref<8x3072xf32, #tpu.memory_space<hbm>>, %arg3: memref<4096x4096xf32, #tpu.memory_space<hbm>>, %arg4: memref<8x3072xf32, #tpu.memory_space<vmem>>, %arg5: memref<128x3072xf32, #tpu.memory_space<vmem_shared>>) attributes {dimension_semantics = [#tpu.dimension_semantics<core_parallel>, #tpu.dimension_semantics<subcore_parallel>], iteration_bounds = array<i64: 2, 16>, scalar_prefetch = 0 : i64, scratch_operands = 2 : i64, tpu.core_type = #tpu.core_type<sc_vector_subcore>, window_params = [{transform_indices = #map}, {transform_indices = #map}]} {
    %mul3A = arith.constant 2 : i32
    %mul3A_0 = arith.muli %arg1, %mul3A : i32
    %add3A = arith.addi %mul3A_0, %arg0 : i32
    "tpu.region"() ({
      %run_scoped3A = tpu.sem_alloc : memref<!tpu.dma_semaphore, #tpu.memory_space<semaphore_mem>>
      tpu.enqueue_dma source(%arg2 : memref<8x3072xf32, #tpu.memory_space<hbm>>) target(%arg4 : memref<8x3072xf32, #tpu.memory_space<vmem>>) target_semaphore(%run_scoped3A : memref<!tpu.dma_semaphore, #tpu.memory_space<semaphore_mem>>)
      tpu.wait_dma2 semaphore(%run_scoped3A : memref<!tpu.dma_semaphore, #tpu.memory_space<semaphore_mem>>) src(%arg2 : memref<8x3072xf32, #tpu.memory_space<hbm>>) dst(%arg4 : memref<8x3072xf32, #tpu.memory_space<vmem>>)
      tpu.yield
    }) : () -> ()
    %mul3A_1 = arith.constant 8 : i32
    %mul3A_2 = arith.muli %arg1, %mul3A_1 : i32
    "tpu.region"() ({
      %run_scoped3A = tpu.sem_alloc : memref<!tpu.dma_semaphore, #tpu.memory_space<semaphore_mem>>
      %dma_start3A = arith.constant 0 : i32
      %dma_start3A_5 = tpu.memref_slice %arg5[%mul3A_2, %dma_start3A] : memref<128x3072xf32, #tpu.memory_space<vmem_shared>> -> memref<8x3072xf32, #tpu.memory_space<vmem_shared>>
      %dma_start3A_6 = arith.constant 0 : i32
      %dma_start3A_7 = tpu.memref_slice %arg5[%mul3A_2, %dma_start3A_6] : memref<128x3072xf32, #tpu.memory_space<vmem_shared>> -> memref<8x3072xf32, #tpu.memory_space<vmem_shared>>
      tpu.enqueue_dma source(%arg4 : memref<8x3072xf32, #tpu.memory_space<vmem>>) target(%dma_start3A_7 : memref<8x3072xf32, #tpu.memory_space<vmem_shared>>) target_semaphore(%run_scoped3A : memref<!tpu.dma_semaphore, #tpu.memory_space<semaphore_mem>>)
      %dma_wait3A = arith.constant 0 : i32
      %dma_wait3A_8 = tpu.memref_slice %arg5[%mul3A_2, %dma_wait3A] : memref<128x3072xf32, #tpu.memory_space<vmem_shared>> -> memref<8x3072xf32, #tpu.memory_space<vmem_shared>>
      %dma_wait3A_9 = arith.constant 0 : i32
      %dma_wait3A_10 = tpu.memref_slice %arg5[%mul3A_2, %dma_wait3A_9] : memref<128x3072xf32, #tpu.memory_space<vmem_shared>> -> memref<8x3072xf32, #tpu.memory_space<vmem_shared>>
      tpu.wait_dma2 semaphore(%run_scoped3A : memref<!tpu.dma_semaphore, #tpu.memory_space<semaphore_mem>>) src(%arg4 : memref<8x3072xf32, #tpu.memory_space<vmem>>) dst(%dma_wait3A_10 : memref<8x3072xf32, #tpu.memory_space<vmem_shared>>)
      tpu.yield
    }) : () -> ()
    %barrier3A = arith.constant 0 : index
    tpu.barrier barrier_id(%barrier3A)
    %mul3A_3 = arith.constant 128 : i32
    %mul3A_4 = arith.muli %add3A, %mul3A_3 : i32
    "tpu.region"() ({
      %run_scoped3A = tpu.sem_alloc : memref<!tpu.dma_semaphore, #tpu.memory_space<semaphore_mem>>
      %dma_start3A = arith.constant 1024 : i32
      %dma_start3A_5 = tpu.memref_slice %arg3[%mul3A_4, %dma_start3A] : memref<4096x4096xf32, #tpu.memory_space<hbm>> -> memref<128x3072xf32, #tpu.memory_space<hbm>>
      tpu.enqueue_dma source(%arg5 : memref<128x3072xf32, #tpu.memory_space<vmem_shared>>) target(%dma_start3A_5 : memref<128x3072xf32, #tpu.memory_space<hbm>>) target_semaphore(%run_scoped3A : memref<!tpu.dma_semaphore, #tpu.memory_space<semaphore_mem>>)
      %dma_wait3A = arith.constant 1024 : i32
      %dma_wait3A_6 = tpu.memref_slice %arg3[%mul3A_4, %dma_wait3A] : memref<4096x4096xf32, #tpu.memory_space<hbm>> -> memref<128x3072xf32, #tpu.memory_space<hbm>>
      tpu.wait_dma2 semaphore(%run_scoped3A : memref<!tpu.dma_semaphore, #tpu.memory_space<semaphore_mem>>) src(%arg5 : memref<128x3072xf32, #tpu.memory_space<vmem_shared>>) dst(%dma_wait3A_6 : memref<128x3072xf32, #tpu.memory_space<hbm>>)
      tpu.yield
    }) : () -> ()
    return
  }
}

module attributes {stable_mosaic.version = 14 : i64} {
  func.func @_rows_body(%arg0: memref<1x2xf32, #tpu.memory_space<smem>>, %arg1: memref<3x1024x256xf32, #tpu.memory_space<vmem>>, %arg2: memref<8x3x1024xf32, #tpu.memory_space<vmem>>) attributes {dimension_semantics = [], scalar_prefetch = 0 : i64, scratch_operands = 0 : i64, tpu.core_type = #tpu.core_type<tc>} {
    %get3A = arith.constant 0 : index
    %get3A_0 = arith.constant 1 : index
    %get3A_1 = memref.load %arg0[%get3A, %get3A_0] : memref<1x2xf32, #tpu.memory_space<smem>>
    %get3A_2 = arith.constant 0 : index
    %get3A_3 = arith.constant 0 : index
    %get3A_4 = arith.constant 0 : index
    %get3A_5 = vector.load %arg1[%get3A_2, %get3A_3, %get3A_4] : memref<3x1024x256xf32, #tpu.memory_space<vmem>>, vector<3x1024x256xf32>
    %mul3A = arith.mulf %get3A_5, %get3A_5 : vector<3x1024x256xf32>
    %reduce_sum3A = arith.constant dense<0.000000e+00> : vector<3x1024xf32>
    %reduce_sum3A_6 = vector.multi_reduction <add>, %mul3A, %reduce_sum3A [2] : vector<3x1024x256xf32> to vector<3x1024xf32>
    %broadcast_in_dim3A = vector.shape_cast %reduce_sum3A_6 : vector<3x1024xf32> to vector<1x3x1024xf32>
    %broadcast_in_dim3A_7 = vector.shape_cast %broadcast_in_dim3A : vector<1x3x1024xf32> to vector<1x3x1024xf32>
    %broadcast_in_dim3A_8 = vector.broadcast %broadcast_in_dim3A_7 : vector<1x3x1024xf32> to vector<8x3x1024xf32>
    %neg3A = arith.constant 0.000000e+00 : f32
    %neg3A_9 = arith.subf %neg3A, %get3A_1 : f32
    %mul3A_10 = vector.broadcast %neg3A_9 : f32 to vector<8x3x1024xf32>
    %mul3A_11 = arith.mulf %broadcast_in_dim3A_8, %mul3A_10 : vector<8x3x1024xf32>
    %swap3A = arith.constant 0 : index
    %swap3A_12 = arith.constant 0 : index
    %swap3A_13 = arith.constant 0 : index
    %swap3A_14 = vector.load %arg2[%swap3A, %swap3A_12, %swap3A_13] : memref<8x3x1024xf32, #tpu.memory_space<vmem>>, vector<8x3x1024xf32>
    tpu.vector_store %arg2[%swap3A, %swap3A_12, %swap3A_13], %mul3A_11 {strides = array<i32>} : memref<8x3x1024xf32, #tpu.memory_space<vmem>>, vector<8x3x1024xf32>,
    return
  }
}

module attributes {stable_mosaic.version = 14 : i64} {
  func.func @_main_body(%arg0: i32, %arg1: memref<4096x4096xf32, #tpu.memory_space<any>>, %arg2: memref<1x2xf32, #tpu.memory_space<smem>>, %arg3: memref<256x256xf32, #tpu.memory_space<vmem>>, %arg4: memref<256x256xbf16, #tpu.memory_space<vmem>>, %arg5: memref<256x256xbf16, #tpu.memory_space<vmem>>, %arg6: memref<1x256xf32, #tpu.memory_space<vmem>>, %arg7: memref<1x256xf32, #tpu.memory_space<vmem>>, %arg8: memref<1x256xf32, #tpu.memory_space<vmem>>, %arg9: memref<1024x256xf32, #tpu.memory_space<vmem>>, %arg10: memref<1024x256xbf16, #tpu.memory_space<vmem>>, %arg11: memref<256x1024xf32, #tpu.memory_space<vmem>>, %arg12: memref<256x256xf32, #tpu.memory_space<vmem>>, %arg13: memref<1x1024xf32, #tpu.memory_space<vmem>>) attributes {dimension_semantics = [#tpu.dimension_semantics<arbitrary>], iteration_bounds = array<i64: 16>, scalar_prefetch = 0 : i64, scratch_operands = 1 : i64, tpu.core_type = #tpu.core_type<tc>, window_params = [{}, {transform_indices = @transform_1, window_bounds = array<i64: 1, 2>}, {transform_indices = @transform_2, window_bounds = array<i64: 256, 256>}, {pipeline_mode = #tpu.pipeline_mode<synchronous>, transform_indices = @transform_3, window_bounds = array<i64: 256, 256>}, {pipeline_mode = #tpu.pipeline_mode<synchronous>, transform_indices = @transform_4, window_bounds = array<i64: 256, 256>}, {pipeline_mode = #tpu.pipeline_mode<synchronous>, transform_indices = @transform_5, window_bounds = array<i64: 1, 256>}, {pipeline_mode = #tpu.pipeline_mode<synchronous>, transform_indices = @transform_6, window_bounds = array<i64: 1, 256>}, {pipeline_mode = #tpu.pipeline_mode<synchronous>, transform_indices = @transform_7, window_bounds = array<i64: 1, 256>}, {pipeline_mode = #tpu.pipeline_mode<synchronous>, transform_indices = @transform_8, window_bounds = array<i64: 1024, 256>}, {pipeline_mode = #tpu.pipeline_mode<synchronous>, transform_indices = @transform_9, window_bounds = array<i64: 1024, 256>}, {transform_indices = @transform_10, window_bounds = array<i64: 256, 1024>}, {transform_indices = @transform_11, window_bounds = array<i64: 256, 256>}]} {
    %get3A = arith.constant 0 : index
    %get3A_0 = arith.constant 0 : index
    %get3A_1 = memref.load %arg2[%get3A, %get3A_0] : memref<1x2xf32, #tpu.memory_space<smem>>
    %get3A_2 = arith.constant 0 : index
    %get3A_3 = arith.constant 1 : index
    %get3A_4 = memref.load %arg2[%get3A_2, %get3A_3] : memref<1x2xf32, #tpu.memory_space<smem>>
    %eq3A = arith.constant 0 : i32
    %eq3A_5 = arith.cmpi eq, %arg0, %eq3A : i32
    %convert_element_type3A = arith.extui %eq3A_5 : i1 to i32
    %cond3A = arith.constant 0 : i32
    %cond3A_6 = arith.cmpi ne, %convert_element_type3A, %cond3A : i32
    scf.if %cond3A_6 {
      %get3A_122 = arith.constant 0 : index
      %get3A_123 = arith.constant 0 : index
      %get3A_124 = vector.load %arg9[%get3A_122, %get3A_123] : memref<1024x256xf32, #tpu.memory_space<vmem>>, vector<1024x256xf32>
      %mul3A_125 = arith.mulf %get3A_124, %get3A_124 : vector<1024x256xf32>
      %reduce_sum3A_126 = arith.constant dense<0.000000e+00> : vector<1024xf32>
      %reduce_sum3A_127 = vector.multi_reduction <add>, %mul3A_125, %reduce_sum3A_126 [1] : vector<1024x256xf32> to vector<1024xf32>
      %neg3A = arith.constant 0.000000e+00 : f32
      %neg3A_128 = arith.subf %neg3A, %get3A_4 : f32
      %mul3A_129 = vector.broadcast %neg3A_128 : f32 to vector<1024xf32>
      %mul3A_130 = arith.mulf %reduce_sum3A_127, %mul3A_129 : vector<1024xf32>
      %swap3A_131 = arith.constant 0 : index
      %swap3A_132 = arith.constant 0 : index
      %swap3A_133 = vector.load %arg13[%swap3A_131, %swap3A_132] : memref<1x1024xf32, #tpu.memory_space<vmem>>, vector<1x1024xf32>
      %swap3A_134 = vector.shape_cast %swap3A_133 : vector<1x1024xf32> to vector<1024xf32>
      %swap3A_135 = vector.shape_cast %mul3A_130 : vector<1024xf32> to vector<1x1024xf32>
      tpu.vector_store %arg13[%swap3A_131, %swap3A_132], %swap3A_135 {strides = array<i32>} : memref<1x1024xf32, #tpu.memory_space<vmem>>, vector<1x1024xf32>,
    } else {
    }
    %get3A_7 = arith.constant 0 : index
    %get3A_8 = arith.constant 0 : index
    %get3A_9 = vector.load %arg3[%get3A_7, %get3A_8] : memref<256x256xf32, #tpu.memory_space<vmem>>, vector<256x256xf32>
    %convert_element_type3A_10 = arith.truncf %get3A_9 : vector<256x256xf32> to vector<256x256xbf16>
    %convert_element_type3A_11 = arith.extf %convert_element_type3A_10 : vector<256x256xbf16> to vector<256x256xf32>
    %sub3A = arith.subf %get3A_9, %convert_element_type3A_11 : vector<256x256xf32>
    %convert_element_type3A_12 = arith.truncf %sub3A : vector<256x256xf32> to vector<256x256xbf16>
    %get3A_13 = arith.constant 0 : index
    %get3A_14 = arith.constant 0 : index
    %get3A_15 = vector.load %arg4[%get3A_13, %get3A_14] : memref<256x256xbf16, #tpu.memory_space<vmem>>, vector<256x256xbf16>
    %dot_general3A = arith.constant dense<0.000000e+00> : vector<256x256xf32>
    %dot_general3A_16 = tpu.matmul %convert_element_type3A_10, %get3A_15, %dot_general3A {dimension_numbers = #tpu.dot_dimension_numbers<[1], [1], [0], [0], [0, 0, 1, 0], [], []>, transpose_lhs_hint = false} : vector<256x256xbf16>, vector<256x256xbf16>, vector<256x256xf32> -> vector<256x256xf32>
    %get3A_17 = arith.constant 0 : index
    %get3A_18 = arith.constant 0 : index
    %get3A_19 = vector.load %arg5[%get3A_17, %get3A_18] : memref<256x256xbf16, #tpu.memory_space<vmem>>, vector<256x256xbf16>
    %dot_general3A_20 = arith.constant dense<0.000000e+00> : vector<256x256xf32>
    %dot_general3A_21 = tpu.matmul %convert_element_type3A_10, %get3A_19, %dot_general3A_20 {dimension_numbers = #tpu.dot_dimension_numbers<[1], [1], [0], [0], [0, 0, 1, 0], [], []>, transpose_lhs_hint = false} : vector<256x256xbf16>, vector<256x256xbf16>, vector<256x256xf32> -> vector<256x256xf32>
    %add3A = arith.addf %dot_general3A_16, %dot_general3A_21 : vector<256x256xf32>
    %get3A_22 = arith.constant 0 : index
    %get3A_23 = arith.constant 0 : index
    %get3A_24 = vector.load %arg4[%get3A_22, %get3A_23] : memref<256x256xbf16, #tpu.memory_space<vmem>>, vector<256x256xbf16>
    %dot_general3A_25 = arith.constant dense<0.000000e+00> : vector<256x256xf32>
    %dot_general3A_26 = tpu.matmul %convert_element_type3A_12, %get3A_24, %dot_general3A_25 {dimension_numbers = #tpu.dot_dimension_numbers<[1], [1], [0], [0], [0, 0, 1, 0], [], []>, transpose_lhs_hint = false} : vector<256x256xbf16>, vector<256x256xbf16>, vector<256x256xf32> -> vector<256x256xf32>
    %add3A_27 = arith.addf %add3A, %dot_general3A_26 : vector<256x256xf32>
    %get3A_28 = arith.constant 0 : index
    %get3A_29 = arith.constant 0 : index
    %get3A_30 = vector.load %arg6[%get3A_28, %get3A_29] : memref<1x256xf32, #tpu.memory_space<vmem>>, vector<1x256xf32>
    %add3A_31 = vector.broadcast %get3A_30 : vector<1x256xf32> to vector<256x256xf32>
    %add3A_32 = arith.addf %add3A_27, %add3A_31 : vector<256x256xf32>
    %reduce_sum3A = arith.constant dense<0.000000e+00> : vector<256xf32>
    %reduce_sum3A_33 = vector.multi_reduction <add>, %add3A_32, %reduce_sum3A [1] : vector<256x256xf32> to vector<256xf32>
    %broadcast_in_dim3A = vector.shape_cast %reduce_sum3A_33 : vector<256xf32> to vector<256x1xf32>
    %div3A = arith.constant 2.560000e+02 : f32
    %div3A_34 = vector.broadcast %div3A : f32 to vector<256x1xf32>
    %div3A_35 = arith.divf %broadcast_in_dim3A, %div3A_34 : vector<256x1xf32>
    %sub3A_36 = vector.broadcast %div3A_35 : vector<256x1xf32> to vector<256x256xf32>
    %sub3A_37 = arith.subf %add3A_32, %sub3A_36 : vector<256x256xf32>
    %sub3A_38 = vector.broadcast %div3A_35 : vector<256x1xf32> to vector<256x256xf32>
    %sub3A_39 = arith.subf %add3A_32, %sub3A_38 : vector<256x256xf32>
    %mul3A = arith.mulf %sub3A_37, %sub3A_39 : vector<256x256xf32>
    %reduce_sum3A_40 = arith.constant dense<0.000000e+00> : vector<256xf32>
    %reduce_sum3A_41 = vector.multi_reduction <add>, %mul3A, %reduce_sum3A_40 [1] : vector<256x256xf32> to vector<256xf32>
    %broadcast_in_dim3A_42 = vector.shape_cast %reduce_sum3A_41 : vector<256xf32> to vector<256x1xf32>
    %div3A_43 = arith.constant 2.560000e+02 : f32
    %div3A_44 = vector.broadcast %div3A_43 : f32 to vector<256x1xf32>
    %div3A_45 = arith.divf %broadcast_in_dim3A_42, %div3A_44 : vector<256x1xf32>
    %sub3A_46 = vector.broadcast %div3A_35 : vector<256x1xf32> to vector<256x256xf32>
    %sub3A_47 = arith.subf %add3A_32, %sub3A_46 : vector<256x256xf32>
    %add3A_48 = arith.constant 9.99999974E-6 : f32
    %add3A_49 = vector.broadcast %add3A_48 : f32 to vector<256x1xf32>
    %add3A_50 = arith.addf %div3A_45, %add3A_49 : vector<256x1xf32>
    %rsqrt3A = math.rsqrt %add3A_50 : vector<256x1xf32>
    %mul3A_51 = vector.broadcast %rsqrt3A : vector<256x1xf32> to vector<256x256xf32>
    %mul3A_52 = arith.mulf %sub3A_47, %mul3A_51 : vector<256x256xf32>
    %get3A_53 = arith.constant 0 : index
    %get3A_54 = arith.constant 0 : index
    %get3A_55 = vector.load %arg7[%get3A_53, %get3A_54] : memref<1x256xf32, #tpu.memory_space<vmem>>, vector<1x256xf32>
    %mul3A_56 = vector.broadcast %get3A_55 : vector<1x256xf32> to vector<256x256xf32>
    %mul3A_57 = arith.mulf %mul3A_52, %mul3A_56 : vector<256x256xf32>
    %get3A_58 = arith.constant 0 : index
    %get3A_59 = arith.constant 0 : index
    %get3A_60 = vector.load %arg8[%get3A_58, %get3A_59] : memref<1x256xf32, #tpu.memory_space<vmem>>, vector<1x256xf32>
    %add3A_61 = vector.broadcast %get3A_60 : vector<1x256xf32> to vector<256x256xf32>
    %add3A_62 = arith.addf %mul3A_57, %add3A_61 : vector<256x256xf32>
    %max3A = arith.constant 0.000000e+00 : f32
    %max3A_63 = vector.broadcast %max3A : f32 to vector<256x256xf32>
    %max3A_64 = arith.maximumf %add3A_62, %max3A_63 : vector<256x256xf32>
    %mul3A_65 = vector.broadcast %get3A_1 : f32 to vector<256x256xf32>
    %mul3A_66 = arith.mulf %max3A_64, %mul3A_65 : vector<256x256xf32>
    %mul3A_67 = arith.mulf %mul3A_66, %mul3A_66 : vector<256x256xf32>
    %reduce_sum3A_68 = arith.constant dense<0.000000e+00> : vector<256xf32>
    %reduce_sum3A_69 = vector.multi_reduction <add>, %mul3A_67, %reduce_sum3A_68 [1] : vector<256x256xf32> to vector<256xf32>
    %broadcast_in_dim3A_70 = vector.shape_cast %reduce_sum3A_69 : vector<256xf32> to vector<256x1xf32>
    %convert_element_type3A_71 = arith.truncf %mul3A_66 : vector<256x256xf32> to vector<256x256xbf16>
    %get3A_72 = arith.constant 0 : index
    %get3A_73 = arith.constant 0 : index
    %get3A_74 = vector.load %arg10[%get3A_72, %get3A_73] : memref<1024x256xbf16, #tpu.memory_space<vmem>>, vector<1024x256xbf16>
    %dot_general3A_75 = arith.constant dense<0.000000e+00> : vector<256x1024xf32>
    %dot_general3A_76 = tpu.matmul %convert_element_type3A_71, %get3A_74, %dot_general3A_75 {dimension_numbers = #tpu.dot_dimension_numbers<[1], [1], [0], [0], [0, 0, 1, 0], [], []>, transpose_lhs_hint = false} : vector<256x256xbf16>, vector<1024x256xbf16>, vector<256x1024xf32> -> vector<256x1024xf32>
    %mul3A_77 = arith.constant 2.000000e+00 : f32
    %mul3A_78 = arith.mulf %mul3A_77, %get3A_4 : f32
    %mul3A_79 = vector.broadcast %mul3A_78 : f32 to vector<256x1024xf32>
    %mul3A_80 = arith.mulf %mul3A_79, %dot_general3A_76 : vector<256x1024xf32>
    %mul3A_81 = vector.broadcast %get3A_4 : f32 to vector<256x1xf32>
    %mul3A_82 = arith.mulf %mul3A_81, %broadcast_in_dim3A_70 : vector<256x1xf32>
    %sub3A_83 = vector.broadcast %mul3A_82 : vector<256x1xf32> to vector<256x1024xf32>
    %sub3A_84 = arith.subf %mul3A_80, %sub3A_83 : vector<256x1024xf32>
    %get3A_85 = arith.constant 0 : index
    %get3A_86 = arith.constant 0 : index
    %get3A_87 = vector.load %arg13[%get3A_85, %get3A_86] : memref<1x1024xf32, #tpu.memory_space<vmem>>, vector<1x1024xf32>
    %get3A_88 = vector.shape_cast %get3A_87 : vector<1x1024xf32> to vector<1024xf32>
    %broadcast_in_dim3A_89 = vector.shape_cast %get3A_88 : vector<1024xf32> to vector<1x1024xf32>
    %add3A_90 = vector.broadcast %broadcast_in_dim3A_89 : vector<1x1024xf32> to vector<256x1024xf32>
    %add3A_91 = arith.addf %sub3A_84, %add3A_90 : vector<256x1024xf32>
    %swap3A = arith.constant 0 : index
    %swap3A_92 = arith.constant 0 : index
    %swap3A_93 = vector.load %arg11[%swap3A, %swap3A_92] : memref<256x1024xf32, #tpu.memory_space<vmem>>, vector<256x1024xf32>
    tpu.vector_store %arg11[%swap3A, %swap3A_92], %add3A_91 {strides = array<i32>} : memref<256x1024xf32, #tpu.memory_space<vmem>>, vector<256x1024xf32>,
    %reduce_sum3A_94 = arith.constant dense<0.000000e+00> : vector<256xf32>
    %reduce_sum3A_95 = vector.multi_reduction <add>, %mul3A_66, %reduce_sum3A_94 [1] : vector<256x256xf32> to vector<256xf32>
    %broadcast_in_dim3A_96 = vector.shape_cast %reduce_sum3A_95 : vector<256xf32> to vector<256x1xf32>
    %div3A_97 = arith.constant 2.560000e+02 : f32
    %div3A_98 = vector.broadcast %div3A_97 : f32 to vector<256x1xf32>
    %div3A_99 = arith.divf %broadcast_in_dim3A_96, %div3A_98 : vector<256x1xf32>
    %sub3A_100 = vector.broadcast %div3A_99 : vector<256x1xf32> to vector<256x256xf32>
    %sub3A_101 = arith.subf %mul3A_66, %sub3A_100 : vector<256x256xf32>
    %sub3A_102 = vector.broadcast %div3A_99 : vector<256x1xf32> to vector<256x256xf32>
    %sub3A_103 = arith.subf %mul3A_66, %sub3A_102 : vector<256x256xf32>
    %mul3A_104 = arith.mulf %sub3A_101, %sub3A_103 : vector<256x256xf32>
    %reduce_sum3A_105 = arith.constant dense<0.000000e+00> : vector<256xf32>
    %reduce_sum3A_106 = vector.multi_reduction <add>, %mul3A_104, %reduce_sum3A_105 [1] : vector<256x256xf32> to vector<256xf32>
    %broadcast_in_dim3A_107 = vector.shape_cast %reduce_sum3A_106 : vector<256xf32> to vector<256x1xf32>
    %div3A_108 = arith.constant 2.560000e+02 : f32
    %div3A_109 = vector.broadcast %div3A_108 : f32 to vector<256x1xf32>
    %div3A_110 = arith.divf %broadcast_in_dim3A_107, %div3A_109 : vector<256x1xf32>
    %sub3A_111 = vector.broadcast %div3A_99 : vector<256x1xf32> to vector<256x256xf32>
    %sub3A_112 = arith.subf %mul3A_66, %sub3A_111 : vector<256x256xf32>
    %add3A_113 = arith.constant 9.99999974E-6 : f32
    %add3A_114 = vector.broadcast %add3A_113 : f32 to vector<256x1xf32>
    %add3A_115 = arith.addf %div3A_110, %add3A_114 : vector<256x1xf32>
    %rsqrt3A_116 = math.rsqrt %add3A_115 : vector<256x1xf32>
    %mul3A_117 = vector.broadcast %rsqrt3A_116 : vector<256x1xf32> to vector<256x256xf32>
    %mul3A_118 = arith.mulf %sub3A_112, %mul3A_117 : vector<256x256xf32>
    %swap3A_119 = arith.constant 0 : index
    %swap3A_120 = arith.constant 0 : index
    %swap3A_121 = vector.load %arg12[%swap3A_119, %swap3A_120] : memref<256x256xf32, #tpu.memory_space<vmem>>, vector<256x256xf32>
    tpu.vector_store %arg12[%swap3A_119, %swap3A_120], %mul3A_118 {strides = array<i32>} : memref<256x256xf32, #tpu.memory_space<vmem>>, vector<256x256xf32>,
    return
  }
  func.func @transform_1(%arg0: i32) -> (i32, i32) {
    %c0_i32 = arith.constant 0 : i32
    %c0_i32_0 = arith.constant 0 : i32
    %c0_i32_1 = arith.constant 0 : i32
    return %c0_i32, %c0_i32_0 : i32, i32
  }
  func.func @transform_2(%arg0: i32) -> (i32, i32) {
    %c0_i32 = arith.constant 0 : i32
    %c0_i32_0 = arith.constant 0 : i32
    return %arg0, %c0_i32 : i32, i32
  }
  func.func @transform_3(%arg0: i32) -> (i32, i32) {
    %c0_i32 = arith.constant 0 : i32
    %c0_i32_0 = arith.constant 0 : i32
    %c0_i32_1 = arith.constant 0 : i32
    return %c0_i32, %c0_i32_0 : i32, i32
  }
  func.func @transform_4(%arg0: i32) -> (i32, i32) {
    %c0_i32 = arith.constant 0 : i32
    %c0_i32_0 = arith.constant 0 : i32
    %c0_i32_1 = arith.constant 0 : i32
    return %c0_i32, %c0_i32_0 : i32, i32
  }
  func.func @transform_5(%arg0: i32) -> (i32, i32) {
    %c0_i32 = arith.constant 0 : i32
    %c0_i32_0 = arith.constant 0 : i32
    %c0_i32_1 = arith.constant 0 : i32
    return %c0_i32, %c0_i32_0 : i32, i32
  }
  func.func @transform_6(%arg0: i32) -> (i32, i32) {
    %c0_i32 = arith.constant 0 : i32
    %c0_i32_0 = arith.constant 0 : i32
    %c0_i32_1 = arith.constant 0 : i32
    return %c0_i32, %c0_i32_0 : i32, i32
  }
  func.func @transform_7(%arg0: i32) -> (i32, i32) {
    %c0_i32 = arith.constant 0 : i32
    %c0_i32_0 = arith.constant 0 : i32
    %c0_i32_1 = arith.constant 0 : i32
    return %c0_i32, %c0_i32_0 : i32, i32
  }
  func.func @transform_8(%arg0: i32) -> (i32, i32) {
    %c0_i32 = arith.constant 0 : i32
    %c0_i32_0 = arith.constant 0 : i32
    %c0_i32_1 = arith.constant 0 : i32
    return %c0_i32, %c0_i32_0 : i32, i32
  }
  func.func @transform_9(%arg0: i32) -> (i32, i32) {
    %c0_i32 = arith.constant 0 : i32
    %c0_i32_0 = arith.constant 0 : i32
    %c0_i32_1 = arith.constant 0 : i32
    return %c0_i32, %c0_i32_0 : i32, i32
  }
  func.func @transform_10(%arg0: i32) -> (i32, i32) {
    %c0_i32 = arith.constant 0 : i32
    %c0_i32_0 = arith.constant 0 : i32
    return %arg0, %c0_i32 : i32, i32
  }
  func.func @transform_11(%arg0: i32) -> (i32, i32) {
    %c0_i32 = arith.constant 0 : i32
    %c0_i32_0 = arith.constant 0 : i32
    return %arg0, %c0_i32 : i32, i32
  }
}

</mosaic_0001>

<sc_bundles>
// kernel: kernel.5.cloned.1.call-start
scs
__scs_entry_jumppad:
0x0: {  	(pc) =	sbr.rel $0x88, $3  }
0x1: {  	(tag) =	ssettag $0x0;
	lr =	simm.s32 $0x1  }
0x2: {  	[smem:$0x3F99] =	sst lr;
	_ =	strace $0xD0000000  }
0x3: {  	_ = 	snop  }
0x4: {  	_ = 	snop  }
0x5: {  	_ = 	snop  }
0x6: {  	_ = 	snop  }
0x7: {  	_ = 	snop  }
__scs_overlays_trampoline_lowered:
0x8: {  	[smem:$0x3FA8] =	sst s0  }
0x9: {  	[smem:$0x3FA9] =	sst s1  }
0xa: {  	[smem:$0x3FAA] =	sst s2  }
0xb: {  	[smem:$0x3FAB] =	sst s3  }
0xc: {  	[smem:$0x3FAC] =	sst s4  }
0xd: {  	[smem:$0x3FAD] =	sst s5  }
0xe: {  	[smem:$0x3FAE] =	sst s6  }
0xf: {  	[smem:$0x3FAF] =	sst s7  }
0x10: {  	[smem:$0x3FB0] =	sst s8  }
0x11: {  	[smem:$0x3FB1] =	sst s9;
	s0 =	simm.s32 @!p0 $0x0  }
0x12: {  	s1 =	sld [smem:$0x3F97];
	s0 =	simm.s32 @p0 $0x1  }
0x13: {  	[smem:$0x3FB2] =	sst s0;
	s0 =	simm.s32 @!p1 $0x0  }
0x14: {  	s2 =	sld [smem:$0x3F96];
	s0 =	simm.s32 @p1 $0x1  }
0x15: {  	[smem:$0x3FB3] =	sst s0;
	s0 =	simm.s32 @!p2 $0x0  }
0x16: {  	s3 =	sld [smem:$0x3FDB];
	s0 =	simm.s32 @p2 $0x1  }
0x17: {  	s4 =	simm.s32 $0x1BF5;
	[smem:$0x3FB5] =	sst s0  }
0x18: {  	s0 =	sld [smem:$0x3F98];
	_ =	swait.ge [sflag:s4], $0x0  }
0x19: {  	s7 =	sld [smem:$0x3F99]  }
0x1a: {  	s8 =	sadd.s32 $0xFFFFE003, lr  }
0x1b: {  	s9 =	sadd.s32 $0xFFFFFEF7, lr;
	s5 =	simm.s32 $0xFFFFFFFF;
	p2 =	slt.u32 s8, $0xFFFFF086  }
0x1c: {  	p1 =	slt.u32 s9, $0xF7A;
	s5 =	simm.s32 @!p2 $0x0  }
0x1d: {  	s5 =	simm.s32 @p1 $0x1;
	p0 =	seq.s32 s7, s2  }
0x1e: {  	s7 =	smul.u32 @!p0 $0xF7A, s2;
	p2 =	seq.s32 @!p0 s5, $0x0  }
0x1f: {  	s9 =	smul.u32 $0xF7A, s1;
	s8 =	simm.s32 @!p0 $0x1BF5;
	p2 =	por !p2, p0  }
0x20: {  	[sflag:s8] =	ssyncset.s32 @!p0 $0xFFFFF086;
	s6 =	sadd.s32 @!p0 s3, s7;
	s7 =	simm.s32 @!p0 $0x108  }
0x21: {  	s3 =	sadd.s32 s3, s9;
	s6 =	sadd.s32 @!p0 $0x88, s6;
	s7 =	simm.s32 @p2 $0x1082  }
0x22: {  	[simem:s7], [sflag:s8] =	dma.local @!p0 [hbm:s6], $0xF7A  }
0x23: {  	s9 =	sor.u32 $0xD0000000, s2;
	s6 =	simm.s32 $0x108;
	_ =	swait.ge @!p0 [sflag:s8], $0x0  }
0x24: {  	s3 =	sadd.s32 $0x88, s3;
	s6 =	simm.s32 @!p1 $0x1082;
	[sflag:s4] =	ssyncset.s32 $0xFFFFF086  }
0x25: {  	[simem:s6], [sflag:s4] =	dma.local [hbm:s3], $0xF7A  }
0x26: {  	[smem:$0x3F99] =	sst s1;
	(tag) =	ssettag s2;
	_ =	strace s9  }
0x27: {  	s1 =	sld [smem:$0x3FA9]  }
0x28: {  	s2 =	sld [smem:$0x3FAA]  }
0x29: {  	s4 =	sld [smem:$0x3FAC]  }
0x2a: {  	p0 =	seq.s32 s5, $0x0;
	s5 =	sld [smem:$0x3FAD]  }
0x2b: {  	s6 =	sld [smem:$0x3FAE]  }
0x2c: {  	s7 =	sld [smem:$0x3FAF]  }
0x2d: {  	s3 =	simm.s32 $0x108;
	s8 =	sld [smem:$0x3FB0]  }
0x2e: {  	s3 =	simm.s32 @!p0 $0x1082;
	s9 =	sld [smem:$0x3FB1]  }
0x2f: {  	lr =	sadd.s32 s0, s3;
	s0 =	sld [smem:$0x3FA8]  }
0x30: {  	s3 =	sld [smem:$0x3FAB]  }
0x31: {  	[smem:$0x3FB4] =	sst s10  }
0x32: {  	s10 =	sld [smem:$0x3FB2];
	_ =	sdelay $0x3  }
0x33: {  	p0 =	seq.s32 s10, $0x1;
	s10 =	sld [smem:$0x3FB4];
	_ =	sdelay $0x3  }
0x34: {  	[smem:$0x3FB4] =	sst s10  }
0x35: {  	s10 =	sld [smem:$0x3FB3];
	_ =	sdelay $0x3  }
0x36: {  	p1 =	seq.s32 s10, $0x1;
	s10 =	sld [smem:$0x3FB4];
	_ =	sdelay $0x3  }
0x37: {  	[smem:$0x3FB4] =	sst s10  }
0x38: {  	s10 =	sld [smem:$0x3FB5]  }
0x39: {  	_ = 	snop;
	(pc) =	sbr.ind lr, $3  }
0x3a: {  	_ = 	snop  }
0x3b: {  	_ = 	snop  }
0x3c: {  	p2 =	seq.s32 s10, $0x1;
	s10 =	sld [smem:$0x3FB4]  }
0x3d: {  	_ =	shalt  }
0x3e: {  	_ =	shalt  }
0x3f: {  	_ =	shalt  }
0x40: {  	_ =	shalt  }
0x41: {  	_ =	shalt  }
0x42: {  	_ =	shalt  }
0x43: {  	_ =	shalt  }
0x44: {  	_ =	shalt  }
0x45: {  	_ =	shalt  }
0x46: {  	_ =	shalt  }
0x47: {  	_ =	shalt  }
0x48: {  	_ =	shalt  }
0x49: {  	_ =	shalt  }
0x4a: {  	_ =	shalt  }
0x4b: {  	_ =	shalt  }
0x4c: {  	_ =	shalt  }
0x4d: {  	_ =	shalt  }
0x4e: {  	_ =	shalt  }
0x4f: {  	_ =	shalt  }
0x50: {  	_ =	shalt  }
0x51: {  	_ =	shalt  }
0x52: {  	_ =	shalt  }
0x53: {  	_ =	shalt  }
0x54: {  	_ =	shalt  }
0x55: {  	_ =	shalt  }
0x56: {  	_ =	shalt  }
0x57: {  	_ =	shalt  }
0x58: {  	_ =	shalt  }
0x59: {  	_ =	shalt  }
0x5a: {  	_ =	shalt  }
0x5b: {  	_ =	shalt  }
0x5c: {  	_ =	shalt  }
0x5d: {  	_ =	shalt  }
0x5e: {  	_ =	shalt  }
0x5f: {  	_ =	shalt  }
0x60: {  	_ =	shalt  }
0x61: {  	_ =	shalt  }
0x62: {  	_ =	shalt  }
0x63: {  	_ =	shalt  }
0x64: {  	_ =	shalt  }
0x65: {  	_ =	shalt  }
0x66: {  	_ =	shalt  }
0x67: {  	_ =	shalt  }
0x68: {  	_ =	shalt  }
0x69: {  	_ =	shalt  }
0x6a: {  	_ =	shalt  }
0x6b: {  	_ =	shalt  }
0x6c: {  	_ =	shalt  }
0x6d: {  	_ =	shalt  }
0x6e: {  	_ =	shalt  }
0x6f: {  	_ =	shalt  }
0x70: {  	_ =	shalt  }
0x71: {  	_ =	shalt  }
0x72: {  	_ =	shalt  }
0x73: {  	_ =	shalt  }
0x74: {  	_ =	shalt  }
0x75: {  	_ =	shalt  }
0x76: {  	_ =	shalt  }
0x77: {  	_ =	shalt  }
0x78: {  	_ =	shalt  }
0x79: {  	_ =	shalt  }
0x7a: {  	_ =	shalt  }
0x7b: {  	_ =	shalt  }
0x7c: {  	_ =	shalt  }
0x7d: {  	_ =	shalt  }
0x7e: {  	_ =	shalt  }
0x7f: {  	_ =	shalt  }
0x80: {  	_ =	shalt  }
0x81: {  	_ =	shalt  }
0x82: {  	_ =	shalt  }
0x83: {  	_ =	shalt  }
0x84: {  	_ =	shalt  }
0x85: {  	_ =	shalt  }
0x86: {  	_ =	shalt  }
0x87: {  	_ =	shalt  }
.Lfunc_end0:
.L_simem_size_0:
called_computation_lowered:
.L_overlay_start_0:
0x88: {  	s2 =	sld [smem:$0x3FD9]  }
0x89: {  	s3 =	sld [smem:$0x3FFE];
	_ =	sdelay $0x1  }
0x8a: {  	s1 =	srdreg.scid  }
0x8b: {  	s0 =	sand.u32 $0x1, s1  }
0x8c: {  	s14 =	sshll.u32 s0, $0xA;
	s2 =	sadd.s32 s3, s2  }
0x8d: {  	s2 =	sadd.s32 s2, s14  }
0x8e: {  	[smem:$0x3FC0] =	sst s2  }
0x8f: {  	_ = 	snop  }
0x90: {  	s2 =	sld [smem:$0x3FD0];
	_ =	sdelay $0x2  }
0x91: {  	s15 =	simm.s32 $0xA;
	s4 =	simm.s32 $0x10  }
0x92: {  	[smem:s4], [sflag:s15] =	dma.local [hbm:s2], $0x1  }
0x93: {  	_ =	swait.eq [sflag:s15], $0x1  }
0x94: {  	[sflag:s15] =	ssyncset.done $0x0  }
0x95: {  	[sflag:s15] =	ssyncadd.s32 $0xFFFFFFFF  }
0x96: {  	s16 =	sld [smem:$0x11];
	(tm) =	ssettm $0x1  }
0x97: {  	s17 =	sld [smem:$0x3FFB];
	_ =	sdelay $0x3  }
0x98: {  	_ =	strace s17  }
0x99: {  	s3 =	sld [smem:$0x3FFC];
	_ =	sdelay $0x3  }
0x9a: {  	_ =	strace s3  }
0x9b: {  	s3 =	sld [smem:$0x3FFD];
	_ =	sdelay $0x3  }
0x9c: {  	_ =	strace s3  }
0x9d: {  	_ =	strace $0x8FFFFFFF  }
0x9e: {  	s18 =	sld [smem:$0x3FDB];
	_ =	sdelay $0x1  }
0x9f: {  	s19 =	simm.s32 $_scs_section_size  }
0xa0: {  	s5 =	simm.s32 $_size__tile_overlayer_lowered;
	s6 =	simm.s32 $_tile_overlayer_lowered  }
0xa1: {  	s22 =	simm.s32 $0x1BFF;
	s21 =	sshll.u32 s6, $0x1;
	s3 =	sadd.s32 s19, s18  }
0xa2: {  	s7 =	simm.s32 $0x0;
	s20 =	sshll.u32 s5, $0x1;
	s5 =	sadd.s32 s21, s3  }
0xa3: {  	[timem:s7], [sflag:s22] =	dma.local [hbm:s5], s20  }
0xa4: {  	_ =	swait.ge [sflag:s22], s20  }
0xa5: {  	s4 =	ssub.s32 $0x0, s20;
	[sflag:s22] =	ssyncset.done $0x0  }
0xa6: {  	[sflag:s22] =	ssyncadd.s32 s4;
	_ =	sdelay $0x1  }
0xa7: {  	s23 =	simm.s32 $0x1B8B  }
0xa8: {  	_ =	swait.ge [sflag:s23], $0x1  }
0xa9: {  	[sflag:s23] =	ssyncset.done $0x0  }
0xaa: {  	s25 =	simm.s32 $0x1B8E;
	s24 =	sld [smem:$0x3FFE];
	[sflag:s23] =	ssyncadd.s32 $0xFFFFFFFF  }
0xab: {  	s26 =	simm.s32 $execute0_lowered;
	[smem:$0x3FD2] =	sst s25  }
0xac: {  	s5 =	sshll.u32 s26, $0x1;
	_ =	strace $0x80000046;
	[dreg:$0x1] =	wrdreg $0xFFFFFFFF  }
0xad: {  	s28 =	simm.s32 $_size_execute0_lowered;
	s3 =	sadd.s32 s3, s5;
	[dreg:$0x0] =	wrdreg $0x0  }
0xae: {  	s5 =	sshll.u32 s28, $0x1;
	[dreg:$0x2] =	wrdreg s3  }
0xaf: {  	[dreg:$0x3] =	wrdreg s5  }
0xb0: {  	[dreg:$0x4] =	wrdreg $0xC0  }
0xb1: {  	_ =	task [dreg:s7], $0x5FFFF  }
0xb2: {  	[dreg:$0x1] =	wrdreg $0xFFFFFFFF  }
0xb3: {  	[dreg:$0x0] =	wrdreg $0x60  }
0xb4: {  	[dreg:$0x2] =	wrdreg s16  }
0xb5: {  	[dreg:$0x3] =	wrdreg s24  }
0xb6: {  	[dreg:$0x4] =	wrdreg $0x60000  }
0xb7: {  	[dreg:$0x5] =	wrdreg $0x9  }
0xb8: {  	_ =	task.clear_ibuf [dreg:s7], $0x6FFFF;
	_ =	strace $0x90000046  }
0xb9: {  	s29 =	simm.s32 $0x9;
	_ =	strace $0x80000048  }
0xba: {  	_ =	swait.ge [sflag:s29], $0x1  }
0xbb: {  	[sflag:s29] =	ssyncadd.s32 $0xFFFFFFFF  }
0xbc: {  	_ =	strace $0x90000048  }
0xbd: {  	_ =	sfence  }
0xbe: {  	s30 =	sld [smem:$0x0];
	_ =	sdelay $0x2  }
0xbf: {  	s31 =	sshll.u32 s1, $0xD;
	s1 =	sshrl.u32 s1, $0x2  }
0xc0: {  	s3 =	sand.u32 $0x4000, s31;
	s1 =	sadd.s32 s1, s30  }
0xc1: {  	s0 =	sor.u32 s3, s0;
	s1 =	sshll.u32 s1, $0x11  }
0xc2: {  	s0 =	sor.u32 s1, s0  }
0xc3: {  	s0 =	sadd.s32 $0x8F2B, s0  }
0xc4: {  	[sflag:s0] =	ssyncadd.remote.s32 $0x1  }
0xc5: {  	_ =	sfence.sel $0xFFFF  }
0xc6: {  	[dreg:$0x0] =	wrdreg $0xFFFFFFFF;
	(pc) =	sbr.abs _section_cstart, $3  }
0xc7: {  	[dreg:$0x1] =	wrdreg $0xFFFFFFFF  }
0xc8: {  	_ =	task.clear_ibuf [dreg:s7], $0x2FFFF;
	_ =	strace $0x9FFFFFFF  }
0xc9: {  	(tm) =	ssettm $0x7FFFFFFF  }
tec
execute0_lowered:
.L_overlay_start_1:
0x0: {  	(tag) =	ssettag $0x1  }
0x1: {  	s1 =	rddreg [dreg:$0x0]  }
0x2: {  	s5 =	rddreg [dreg:$0x1]  }
0x3: {  	s8 =	rddreg [dreg:$0x2]  }
0x4: {  	s0 =	rddreg [dreg:$0x3];
	s2 =	simm.s32 $0x0  }
0x5: {  	s3 =	srdreg.scid;
	s11 =	simm.s32 $0xC00;
	[smem:$0x7FF] =	sst s2  }
0x6: {  	s4 =	sand.u32 $0x1, s3;
	s3 =	stileid.u32;
	_ =	strace $0x80000047  }
0x7: {  	s6 =	sshll.u32 s4, $0x10;
	s7 =	ssub.s32 $0x2, s4;
	s10 =	smul.u32 $0x18000, s3  }
0x8: {  	s4 =	simm.s32 $0x1;
	s30 =	sshll.u32 s3, $0x11;
	s31 =	sshll.u32 s3, $0x6  }
0x9: {  	[tilespmem:s2], [sflag:$0x1] =	stream.linear.gather [hbm4b:s1+s2], $0x6000, $0x38;
	[tilespmem:$0xC000] =	vst v63  }
0xa: {  	s9 =	sshrl.u32 s7, $0x1;
	s6 =	sadd.s32 s6, s5;
	_ =	swait.ge [sflag:s4], $0x6000  }
0xb: {  	s7 =	ssub.s32 s7, s9;
	s29 =	sshrl.u32 s10, $0x2;
	[sflag:s4] =	ssyncset.done $0x0  }
0xc: {  	s6 =	sadd.s32 s30, s6;
	s5 =	sadd.s32 s29, s8;
	[sflag:s4] =	ssyncadd.s32 $0xFFFFA000  }
0xd: {  	[spmem:s5] =	stream.linear.scatter [tilespmem:s2], [sflag:$0x1], $0x6000, $0x38;
	[tilespmem:$0xC000] =	vst v63  }
0xe: {  	s9 =	simm.s32 $0xC0;
	s12 =	smax.u32 s7, $0x1;
	_ =	swait.ge [sflag:s4], $0x6000  }
0xf: {  	s10 =	simm.s32 $0x1000;
	p0 =	sne.s32 s12, $0x1;
	[sflag:s4] =	ssyncset.done $0x0  }
.Ltmp0:
0x10: {  	s6 =	sadd.s32 $0x1800, s6;
	[sflag:s4] =	ssyncadd.s32 $0xFFFFA000;
	(pc) =	sbr.rel @!p0 .LBB2_2-.Ltmp0, $4  }
0x11: {  	s7 =	sor.u32 $0x1C01, s31;
	s8 =	sshrl.u32 s8, $0x3;
	[bflag:$0x0] =	sbarrier.arrive $0xFFFF  }
0x12: {  	[hbm:s6@s10], [sflag:s7] =	dma.strided [spmem:s8@s11], $0xC000, s9, $0x10   }
0x13: {  	_ =	swait.ge [sflag:s4], $0xC000  }
0x14: {  	s12 =	sadd.s32 $0xFFFFFFFF, s12;
	[sflag:s4] =	ssyncset.done $0x0  }
.LBB2_1:
0x15: {  	p0 =	sne.s32 s12, $0x1;
	s12 =	sadd.s32 $0xFFFFFFFF, s12;
	[sflag:s4] =	ssyncadd.s32 $0xFFFF4000  }
0x16: {  	[tilespmem:s2], [sflag:$0x1] =	stream.linear.gather [hbm4b:s1+s2], $0x6000, $0x38;
	[tilespmem:$0xC000] =	vst v63  }
0x17: {  	_ =	swait.ge [sflag:s4], $0x6000  }
0x18: {  	[sflag:s4] =	ssyncset.done $0x0  }
0x19: {  	[sflag:s4] =	ssyncadd.s32 $0xFFFFA000  }
0x1a: {  	[spmem:s5] =	stream.linear.scatter [tilespmem:s2], [sflag:$0x1], $0x6000, $0x38;
	[tilespmem:$0xC000] =	vst v63  }
0x1b: {  	_ =	swait.ge [sflag:s4], $0x6000  }
0x1c: {  	[sflag:s4] =	ssyncset.done $0x0  }
.Ltmp1:
0x1d: {  	[sflag:s4] =	ssyncadd.s32 $0xFFFFA000;
	(pc) =	sbr.rel @p0 .LBB2_1-.Ltmp1, $4  }
0x1e: {  	[bflag:$0x0] =	sbarrier.arrive $0xFFFF  }
0x1f: {  	[hbm:s6@s10], [sflag:s7] =	dma.strided [spmem:s8@s11], $0xC000, s9, $0x10   }
0x20: {  	_ =	swait.ge [sflag:s4], $0xC000  }
0x21: {  	[sflag:s4] =	ssyncset.done $0x0  }
.LBB2_2:
0x22: {  	[sflag:s4] =	ssyncadd.s32 $0xFFFF4000  }
0x23: {  	_ =	sfence.sel $0x180000  }
0x24: {  	[bflag:$0x0] =	sbarrier.arrive $0xFFFF  }
0x25: {  	p0 =	sne.s32 s3, $0x0;
	_ =	strace $0x90000047  }
0x26: {  	s0 =	sadd.s32 @!p0 $0x100000, s0;
	[bflag:$0x2] =	sbarrier.arrive $0xFFFF  }
0x27: {  	[sflag:s0] =	ssyncadd.tile.s32 @!p0 $0x1;
	_ =	shalt  }
.Lfunc_end2:
_tile_overlayer_lowered:
.L_overlay_start_2:
0x28: {  	(tag) =	ssettag $0x2  }
0x29: {  	s0 =	rddreg [dreg:$0x0];
	s2 =	stileid.u32  }
0x2a: {  	s1 =	rddreg [dreg:$0x1];
	p0 =	sne.s32 s2, $0x0  }
0x2b: {  	s3 =	rddreg [dreg:$0x2];
	[bflag:$0x3] =	sbarrier.arrive $0xFFFF;
	s2 =	simm.s32 @!p0 $0x1C01  }
0x2c: {  	[timem:s3], [sflag:s2] =	dma.local @!p0 [hbm:s0], s1  }
0x2d: {  	s0 =	simm.s32 @!p0 $0x1  }
0x2e: {  	_ =	swait.ge @!p0 [sflag:s0], s1  }
0x2f: {  	s1 =	ssub.s32 @!p0 $0x0, s1;
	[sflag:s0] =	ssyncset.done @!p0 $0x0  }
0x30: {  	[sflag:s0] =	ssyncadd.s32 @!p0 s1  }
0x31: {  	[bflag:$0x3] =	sbarrier.arrive $0xFFFF  }
0x32: {  	_ =	shalt  }

</sc_bundles>
